<compile_context>
chip_gen: v7x
topology: tpu7x:2x2x1
jax: 0.10.2.dev20260603
libtpu: 0.0.44.dev20260713+nightly
codegen_flags: <defaults>
</compile_context>

<pallas_src>
import jax
import jax.numpy as jnp
from jax.experimental import pallas as pl
from jax.experimental.pallas import tpu as pltpu

_PRE_NMS_THRESH = 0.05
_PRE_NMS_TOP_N = 1000
_NMS_THRESH = 0.6
_FPN_POST_NMS_TOP_N = 100
_STRIDE = 8.0
_M_PAD = 1024


def _score_kernel(cls_ref, cent_ref, out_ref):
    cls = cls_ref[0]
    cent = cent_ref[0]
    c_dim = cls.shape[-1]
    s = jax.nn.sigmoid(cls)
    lane = jax.lax.broadcasted_iota(jnp.int32, s.shape, 1)
    s = jnp.where(lane == c_dim - 1, 0.0, s)
    cand = s > _PRE_NMS_THRESH
    val = s * jax.nn.sigmoid(cent)
    out_ref[0] = jnp.where(cand, val, -1.0)


def _nms_kernel(bb_ref, bbt_ref, valid_ref, keep_ref, iou_ref):
    bb = bb_ref[0]
    bbt = bbt_ref[0]
    x1c, y1c, x2c, y2c = bb[:, 0:1], bb[:, 1:2], bb[:, 2:3], bb[:, 3:4]
    x1r, y1r, x2r, y2r = bbt[0:1, :], bbt[1:2, :], bbt[2:3, :], bbt[3:4, :]
    wx = jnp.clip(jnp.minimum(x2c, x2r) - jnp.maximum(x1c, x1r), 0.0, None)
    wy = jnp.clip(jnp.minimum(y2c, y2r) - jnp.maximum(y1c, y1r), 0.0, None)
    inter = wx * wy
    area_c = (x2c - x1c) * (y2c - y1c)
    area_r = (x2r - x1r) * (y2r - y1r)
    iou_ref[...] = inter / jnp.clip(area_c + area_r - inter, 1e-9, None)

    keep0 = valid_ref[0]
    m = keep0.shape[-1]
    lane = jax.lax.broadcasted_iota(jnp.int32, (1, m), 1)

    def body(i, keep):
        row = iou_ref[pl.ds(i, 1), :]
        keep_i = jnp.sum(jnp.where(lane == i, keep, 0.0)) > 0.0
        sup = (row > _NMS_THRESH) & (lane > i)
        return jnp.where(keep_i, jnp.where(sup, 0.0, keep), keep)

    keep_ref[0] = jax.lax.fori_loop(0, _PRE_NMS_TOP_N, body, keep0)


def kernel(locations, box_cls, box_regression, centerness, image_sizes):
    N, C, H, W = box_cls.shape
    HW = H * W

    cls_t = jnp.transpose(box_cls, (0, 2, 3, 1)).reshape(N, HW, C)
    cent_t = jnp.transpose(centerness, (0, 2, 3, 1)).reshape(N, HW, 1)

    blk = 2048
    masked = pl.pallas_call(
        _score_kernel,
        grid=(N, HW // blk),
        in_specs=[
            pl.BlockSpec((1, blk, C), lambda n, h: (n, h, 0)),
            pl.BlockSpec((1, blk, 1), lambda n, h: (n, h, 0)),
        ],
        out_specs=pl.BlockSpec((1, blk, C), lambda n, h: (n, h, 0)),
        out_shape=jax.ShapeDtypeStruct((N, HW, C), jnp.float32),
    )(cls_t, cent_t)

    flat = masked.reshape(N, HW * C)
    topv, topi = jax.lax.top_k(flat, _PRE_NMS_TOP_N)
    loc_idx = topi // C
    labels = topi % C + 1
    valid = topv > 0.0

    reg = jnp.transpose(box_regression, (0, 2, 3, 1)).reshape(N, HW, 4) * _STRIDE
    per_loc = locations[loc_idx]
    per_reg = jnp.take_along_axis(reg, loc_idx[..., None], axis=1)
    x1 = per_loc[..., 0] - per_reg[..., 0]
    y1 = per_loc[..., 1] - per_reg[..., 1]
    x2 = per_loc[..., 0] + per_reg[..., 2]
    y2 = per_loc[..., 1] + per_reg[..., 3]
    h_img = image_sizes[:, 0].astype(jnp.float32)[:, None]
    w_img = image_sizes[:, 1].astype(jnp.float32)[:, None]
    x1 = jnp.clip(x1, 0.0, w_img - 1.0)
    y1 = jnp.clip(y1, 0.0, h_img - 1.0)
    x2 = jnp.clip(x2, 0.0, w_img - 1.0)
    y2 = jnp.clip(y2, 0.0, h_img - 1.0)
    boxes = jnp.stack([x1, y1, x2, y2], axis=-1)
    scores = jnp.where(valid, jnp.sqrt(jnp.where(valid, topv, 1.0)), 0.0)

    max_coord = jnp.max(boxes)
    offs = labels.astype(jnp.float32) * (max_coord + 1.0)
    nms_boxes = boxes + offs[..., None]

    k = _PRE_NMS_TOP_N
    pad = _M_PAD - k
    bb = jnp.pad(nms_boxes, ((0, 0), (0, pad), (0, 0)))
    bbt = jnp.transpose(bb, (0, 2, 1))
    vpad = jnp.pad(valid.astype(jnp.float32), ((0, 0), (0, pad)))
    vrow = vpad[:, None, :]

    keep = pl.pallas_call(
        _nms_kernel,
        grid=(N,),
        in_specs=[
            pl.BlockSpec((1, _M_PAD, 4), lambda n: (n, 0, 0)),
            pl.BlockSpec((1, 4, _M_PAD), lambda n: (n, 0, 0)),
            pl.BlockSpec((1, 1, _M_PAD), lambda n: (n, 0, 0)),
        ],
        out_specs=pl.BlockSpec((1, 1, _M_PAD), lambda n: (n, 0, 0)),
        out_shape=jax.ShapeDtypeStruct((N, 1, _M_PAD), jnp.float32),
        scratch_shapes=[pltpu.VMEM((_M_PAD, _M_PAD), jnp.float32)],
    )(bb, bbt, vrow)

    keep = keep[:, 0, :k] > 0.0
    kept_scores = jnp.where(keep, scores, -1.0)
    fv, fi = jax.lax.top_k(kept_scores, _FPN_POST_NMS_TOP_N)
    out_valid = fv > 0.0
    out_boxes = jnp.take_along_axis(boxes, fi[..., None], axis=1)
    out_scores = jnp.take_along_axis(scores, fi, axis=1)
    out_labels = jnp.take_along_axis(labels, fi, axis=1)
    out_boxes = jnp.where(out_valid[..., None], out_boxes, 0.0)
    out_scores = jnp.where(out_valid, out_scores, 0.0)
    out_labels = jnp.where(out_valid, out_labels, 0)
    return out_boxes, out_scores, out_labels, out_valid

# --- scband reference (transcript-rebuilt; emitter-appended) ---
"""Pipeline reference for scband-fcospost-processor-30408368456270 (READ-ONLY COPY).

The authoritative reference and input builder live on the scoring server;
editing this copy changes nothing except your own understanding.
"""

import jax, jax.numpy as jnp
import numpy as np

PRE_NMS_THRESH = 0.05
PRE_NMS_TOP_N = 1000
NMS_THRESH = 0.6
FPN_POST_NMS_TOP_N = 100
MIN_SIZE = 0.0
STRIDE = 8.0


def setup_inputs(seed: int = 0):
    key = jax.random.key(seed)
    k1, k2, k3, k4 = jax.random.split(key, 4)
    N, C, H, W = 2, 80, 128, 128
    ys, xs = jnp.meshgrid(jnp.arange(H), jnp.arange(W), indexing='ij')
    locations = jnp.stack([xs.reshape(-1) * STRIDE + STRIDE / 2,
                           ys.reshape(-1) * STRIDE + STRIDE / 2], axis=1).astype(jnp.float32)
    box_cls = jax.random.normal(k1, (N, C, H, W), jnp.float32)
    box_regression = jax.random.uniform(k2, (N, 4, H, W), jnp.float32) * 4.0
    centerness = jax.random.normal(k3, (N, 1, H, W), jnp.float32)
    image_sizes = jax.random.randint(k4, (N, 2), 900, 1025).astype(jnp.int32)
    return {"locations": locations, "box_cls": box_cls,
            "box_regression": box_regression, "centerness": centerness,
            "image_sizes": image_sizes}


def _nms_keep(boxes, scores, valid):
    # greedy class-aware NMS on fixed-size arrays; returns keep mask in original order
    M = boxes.shape[0]
    order = jnp.argsort(-scores)
    b = boxes[order]
    v = valid[order]
    area = (b[:, 2] - b[:, 0]) * (b[:, 3] - b[:, 1])
    lt = jnp.maximum(b[:, None, :2], b[None, :, :2])
    rb = jnp.minimum(b[:, None, 2:], b[None, :, 2:])
    wh = jnp.clip(rb - lt, 0.0, None)
    inter = wh[..., 0] * wh[..., 1]
    iou = inter / jnp.clip(area[:, None] + area[None, :] - inter, 1e-9, None)
    idx = jnp.arange(M)
    def body(i, keep):
        sup = (iou[i] > NMS_THRESH) & (idx > i)
        return jnp.where(keep[i], keep & (~sup), keep)
    keep_sorted = jax.lax.fori_loop(0, M, body, v)
    return jnp.zeros((M,), dtype=jnp.bool_).at[order].set(keep_sorted)


def _forward(locations, box_cls, box_regression, centerness, image_sizes):
    N, C, H, W = box_cls.shape
    HW = H * W
    cls = jax.nn.sigmoid(jnp.transpose(box_cls, (0, 2, 3, 1)).reshape(N, HW, C))
    cls = cls.at[:, :, -1].set(0.0)  # box_cls[:, -1] = 0.0
    reg = jnp.transpose(box_regression, (0, 2, 3, 1)).reshape(N, HW, 4) * STRIDE  # norm_reg_targets
    cent = jax.nn.sigmoid(jnp.transpose(centerness, (0, 2, 3, 1)).reshape(N, HW))
    cand = cls > PRE_NMS_THRESH
    sc = cls * cent[:, :, None]
    masked = jnp.where(cand, sc, -1.0)
    flat = masked.reshape(N, HW * C)
    topv, topi = jax.lax.top_k(flat, PRE_NMS_TOP_N)
    topi = jax.lax.stop_gradient(topi)
    loc_idx = topi // C
    labels = topi % C + 1
    valid = topv > 0.0
    per_loc = locations[loc_idx]                                  # [N,k,2]
    per_reg = jnp.take_along_axis(reg, loc_idx[..., None], axis=1)  # [N,k,4]
    x1 = per_loc[..., 0] - per_reg[..., 0]
    y1 = per_loc[..., 1] - per_reg[..., 1]
    x2 = per_loc[..., 0] + per_reg[..., 2]
    y2 = per_loc[..., 1] + per_reg[..., 3]
    h_img = image_sizes[:, 0].astype(jnp.float32)[:, None]
    w_img = image_sizes[:, 1].astype(jnp.float32)[:, None]
    # clip_to_image (TO_REMOVE = 1)
    x1 = jnp.clip(x1, 0.0, w_img - 1.0)
    y1 = jnp.clip(y1, 0.0, h_img - 1.0)
    x2 = jnp.clip(x2, 0.0, w_img - 1.0)
    y2 = jnp.clip(y2, 0.0, h_img - 1.0)
    boxes = jnp.stack([x1, y1, x2, y2], axis=-1)                  # [N,k,4]
    # remove_small_boxes
    valid = valid & ((x2 - x1 + 1.0) >= MIN_SIZE) & ((y2 - y1 + 1.0) >= MIN_SIZE)
    scores = jnp.where(valid, jnp.sqrt(jnp.where(valid, topv, 1.0)), 0.0)
    # multi-class NMS: offset boxes by label so different classes never overlap
    max_coord = jax.lax.stop_gradient(jnp.max(boxes))
    offs = labels.astype(jnp.float32) * (max_coord + 1.0)
    nms_boxes = boxes + offs[..., None]
    keep = jax.vmap(_nms_keep)(jax.lax.stop_gradient(nms_boxes),
                               jax.lax.stop_gradient(scores), valid)
    kept_scores = jnp.where(keep, scores, -1.0)
    fv, fi = jax.lax.top_k(kept_scores, FPN_POST_NMS_TOP_N)
    fi = jax.lax.stop_gradient(fi)
    out_valid = fv > 0.0
    out_boxes = jnp.take_along_axis(boxes, fi[..., None], axis=1)
    out_scores = jnp.take_along_axis(scores, fi, axis=1)
    out_labels = jnp.take_along_axis(labels, fi, axis=1)
    out_boxes = jnp.where(out_valid[..., None], out_boxes, 0.0)
    out_scores = jnp.where(out_valid, out_scores, 0.0)
    out_labels = jnp.where(out_valid, out_labels, 0)
    return out_boxes, out_scores, out_labels, out_valid


def reference(locations, box_cls, box_regression, centerness, image_sizes):
    return _forward(locations, box_cls, box_regression, centerness, image_sizes)

if __name__ == "__main__":
    import jax
    _d = setup_inputs()
    print(jax.jit(kernel)(*tuple(_d.values())))

</pallas_src>

<mosaic_0001>
module attributes {stable_mosaic.version = 14 : i64} {
  func.func @_score_kernel(%arg0: i32, %arg1: i32, %arg2: memref<1x2048x80xf32, #tpu.memory_space<vmem>>, %arg3: memref<1x2048x1xf32, #tpu.memory_space<vmem>>, %arg4: memref<1x2048x80xf32, #tpu.memory_space<vmem>>) attributes {dimension_semantics = [#tpu.dimension_semantics<arbitrary>, #tpu.dimension_semantics<arbitrary>], iteration_bounds = array<i64: 2, 8>, scalar_prefetch = 0 : i64, scratch_operands = 0 : i64, tpu.core_type = #tpu.core_type<tc>, window_params = [{transform_indices = @transform_0, window_bounds = array<i64: 1, 2048, 80>}, {transform_indices = @transform_1, window_bounds = array<i64: 1, 2048, 1>}, {transform_indices = @transform_2, window_bounds = array<i64: 1, 2048, 80>}]} {
    %get3A = arith.constant 0 : index
    %get3A_0 = arith.constant 0 : index
    %get3A_1 = arith.constant 0 : index
    %get3A_2 = vector.load %arg2[%get3A, %get3A_0, %get3A_1] : memref<1x2048x80xf32, #tpu.memory_space<vmem>>, vector<1x2048x80xf32>
    %get3A_3 = vector.shape_cast %get3A_2 : vector<1x2048x80xf32> to vector<2048x80xf32>
    %get3A_4 = arith.constant 0 : index
    %get3A_5 = arith.constant 0 : index
    %get3A_6 = arith.constant 0 : index
    %get3A_7 = vector.load %arg3[%get3A_4, %get3A_5, %get3A_6] : memref<1x2048x1xf32, #tpu.memory_space<vmem>>, vector<1x2048x1xf32>
    %get3A_8 = vector.shape_cast %get3A_7 : vector<1x2048x1xf32> to vector<2048x1xf32>
    %logistic3A = arith.negf %get3A_3 : vector<2048x80xf32>
    %logistic3A_9 = math.exp %logistic3A : vector<2048x80xf32>
    %logistic3A_10 = arith.constant 1.000000e+00 : f32
    %logistic3A_11 = vector.broadcast %logistic3A_10 : f32 to vector<2048x80xf32>
    %logistic3A_12 = arith.addf %logistic3A_11, %logistic3A_9 : vector<2048x80xf32>
    %logistic3A_13 = arith.divf %logistic3A_11, %logistic3A_12 : vector<2048x80xf32>
    %iota3A = tpu.iota {dimensions = array<i32: 1>} : vector<2048x80xi32>
    %eq3A = arith.constant 79 : i32
    %eq3A_14 = vector.broadcast %eq3A : i32 to vector<2048x80xi32>
    %eq3A_15 = arith.cmpi eq, %iota3A, %eq3A_14 : vector<2048x80xi32>
    %jit3A = arith.constant 0.000000e+00 : f32
    %broadcast_in_dim3A = vector.broadcast %jit3A : f32 to vector<2048x80xf32>
    %select_n3A = arith.select %eq3A_15, %broadcast_in_dim3A, %logistic3A_13 : vector<2048x80xi1>, vector<2048x80xf32>
    %gt3A = arith.constant 5.000000e-02 : f32
    %gt3A_16 = vector.broadcast %gt3A : f32 to vector<2048x80xf32>
    %gt3A_17 = arith.cmpf ogt, %select_n3A, %gt3A_16 : vector<2048x80xf32>
    %logistic3A_18 = arith.negf %get3A_8 : vector<2048x1xf32>
    %logistic3A_19 = math.exp %logistic3A_18 : vector<2048x1xf32>
    %logistic3A_20 = arith.constant 1.000000e+00 : f32
    %logistic3A_21 = vector.broadcast %logistic3A_20 : f32 to vector<2048x1xf32>
    %logistic3A_22 = arith.addf %logistic3A_21, %logistic3A_19 : vector<2048x1xf32>
    %logistic3A_23 = arith.divf %logistic3A_21, %logistic3A_22 : vector<2048x1xf32>
    %mul3A = vector.broadcast %logistic3A_23 : vector<2048x1xf32> to vector<2048x80xf32>
    %mul3A_24 = arith.mulf %select_n3A, %mul3A : vector<2048x80xf32>
    %jit3A_25 = arith.constant -1.000000e+00 : f32
    %broadcast_in_dim3A_26 = vector.broadcast %jit3A_25 : f32 to vector<2048x80xf32>
    %select_n3A_27 = arith.select %gt3A_17, %mul3A_24, %broadcast_in_dim3A_26 : vector<2048x80xi1>, vector<2048x80xf32>
    %swap3A = arith.constant 0 : index
    %swap3A_28 = arith.constant 0 : index
    %swap3A_29 = arith.constant 0 : index
    %swap3A_30 = vector.load %arg4[%swap3A, %swap3A_28, %swap3A_29] : memref<1x2048x80xf32, #tpu.memory_space<vmem>>, vector<1x2048x80xf32>
    %swap3A_31 = vector.shape_cast %swap3A_30 : vector<1x2048x80xf32> to vector<2048x80xf32>
    %swap3A_32 = vector.shape_cast %select_n3A_27 : vector<2048x80xf32> to vector<1x2048x80xf32>
    tpu.vector_store %arg4[%swap3A, %swap3A_28, %swap3A_29], %swap3A_32 {strides = array<i32>} : memref<1x2048x80xf32, #tpu.memory_space<vmem>>, vector<1x2048x80xf32>,
    return
  }
  func.func @transform_0(%arg0: i32, %arg1: i32) -> (i32, i32, i32) {
    %c0_i32 = arith.constant 0 : i32
    %c0_i32_0 = arith.constant 0 : i32
    return %arg0, %arg1, %c0_i32 : i32, i32, i32
  }
  func.func @transform_1(%arg0: i32, %arg1: i32) -> (i32, i32, i32) {
    %c0_i32 = arith.constant 0 : i32
    %c0_i32_0 = arith.constant 0 : i32
    return %arg0, %arg1, %c0_i32 : i32, i32, i32
  }
  func.func @transform_2(%arg0: i32, %arg1: i32) -> (i32, i32, i32) {
    %c0_i32 = arith.constant 0 : i32
    %c0_i32_0 = arith.constant 0 : i32
    return %arg0, %arg1, %c0_i32 : i32, i32, i32
  }
}

module attributes {stable_mosaic.version = 14 : i64} {
  func.func @_nms_kernel(%arg0: i32, %arg1: memref<1x1024x4xf32, #tpu.memory_space<vmem>>, %arg2: memref<1x4x1024xf32, #tpu.memory_space<vmem>>, %arg3: memref<1x1x1024xf32, #tpu.memory_space<vmem>>, %arg4: memref<1x1x1024xf32, #tpu.memory_space<vmem>>, %arg5: memref<1024x1024xf32, #tpu.memory_space<vmem>>) attributes {dimension_semantics = [#tpu.dimension_semantics<arbitrary>], iteration_bounds = array<i64: 2>, scalar_prefetch = 0 : i64, scratch_operands = 1 : i64, tpu.core_type = #tpu.core_type<tc>, window_params = [{transform_indices = @transform_0, window_bounds = array<i64: 1, 1024, 4>}, {transform_indices = @transform_1, window_bounds = array<i64: 1, 4, 1024>}, {transform_indices = @transform_2, window_bounds = array<i64: 1, 1, 1024>}, {transform_indices = @transform_3, window_bounds = array<i64: 1, 1, 1024>}]} {
    %get3A = arith.constant 0 : index
    %get3A_0 = arith.constant 0 : index
    %get3A_1 = arith.constant 0 : index
    %get3A_2 = vector.load %arg1[%get3A, %get3A_0, %get3A_1] : memref<1x1024x4xf32, #tpu.memory_space<vmem>>, vector<1x1024x4xf32>
    %get3A_3 = vector.shape_cast %get3A_2 : vector<1x1024x4xf32> to vector<1024x4xf32>
    %get3A_4 = arith.constant 0 : index
    %get3A_5 = arith.constant 0 : index
    %get3A_6 = arith.constant 0 : index
    %get3A_7 = vector.load %arg2[%get3A_4, %get3A_5, %get3A_6] : memref<1x4x1024xf32, #tpu.memory_space<vmem>>, vector<1x4x1024xf32>
    %get3A_8 = vector.shape_cast %get3A_7 : vector<1x4x1024xf32> to vector<4x1024xf32>
    %slice3A = vector.extract_strided_slice %get3A_3 {offsets = [0, 0], sizes = [1024, 1], strides = [1, 1]} : vector<1024x4xf32> to vector<1024x1xf32>
    %slice3A_9 = vector.extract_strided_slice %get3A_3 {offsets = [0, 1], sizes = [1024, 1], strides = [1, 1]} : vector<1024x4xf32> to vector<1024x1xf32>
    %slice3A_10 = vector.extract_strided_slice %get3A_3 {offsets = [0, 2], sizes = [1024, 1], strides = [1, 1]} : vector<1024x4xf32> to vector<1024x1xf32>
    %slice3A_11 = vector.extract_strided_slice %get3A_3 {offsets = [0, 3], sizes = [1024, 1], strides = [1, 1]} : vector<1024x4xf32> to vector<1024x1xf32>
    %slice3A_12 = vector.extract_strided_slice %get3A_8 {offsets = [0, 0], sizes = [1, 1024], strides = [1, 1]} : vector<4x1024xf32> to vector<1x1024xf32>
    %slice3A_13 = vector.extract_strided_slice %get3A_8 {offsets = [1, 0], sizes = [1, 1024], strides = [1, 1]} : vector<4x1024xf32> to vector<1x1024xf32>
    %slice3A_14 = vector.extract_strided_slice %get3A_8 {offsets = [2, 0], sizes = [1, 1024], strides = [1, 1]} : vector<4x1024xf32> to vector<1x1024xf32>
    %slice3A_15 = vector.extract_strided_slice %get3A_8 {offsets = [3, 0], sizes = [1, 1024], strides = [1, 1]} : vector<4x1024xf32> to vector<1x1024xf32>
    %min3A = vector.broadcast %slice3A_10 : vector<1024x1xf32> to vector<1024x1024xf32>
    %min3A_16 = vector.broadcast %slice3A_14 : vector<1x1024xf32> to vector<1024x1024xf32>
    %min3A_17 = arith.minimumf %min3A, %min3A_16 : vector<1024x1024xf32>
    %max3A = vector.broadcast %slice3A : vector<1024x1xf32> to vector<1024x1024xf32>
    %max3A_18 = vector.broadcast %slice3A_12 : vector<1x1024xf32> to vector<1024x1024xf32>
    %max3A_19 = arith.maximumf %max3A, %max3A_18 : vector<1024x1024xf32>
    %sub3A = arith.subf %min3A_17, %max3A_19 : vector<1024x1024xf32>
    %jit3A = arith.constant 0.000000e+00 : f32
    %max3A_20 = vector.broadcast %jit3A : f32 to vector<1024x1024xf32>
    %max3A_21 = arith.maximumf %max3A_20, %sub3A : vector<1024x1024xf32>
    %min3A_22 = vector.broadcast %slice3A_11 : vector<1024x1xf32> to vector<1024x1024xf32>
    %min3A_23 = vector.broadcast %slice3A_15 : vector<1x1024xf32> to vector<1024x1024xf32>
    %min3A_24 = arith.minimumf %min3A_22, %min3A_23 : vector<1024x1024xf32>
    %max3A_25 = vector.broadcast %slice3A_9 : vector<1024x1xf32> to vector<1024x1024xf32>
    %max3A_26 = vector.broadcast %slice3A_13 : vector<1x1024xf32> to vector<1024x1024xf32>
    %max3A_27 = arith.maximumf %max3A_25, %max3A_26 : vector<1024x1024xf32>
    %sub3A_28 = arith.subf %min3A_24, %max3A_27 : vector<1024x1024xf32>
    %jit3A_29 = arith.constant 0.000000e+00 : f32
    %max3A_30 = vector.broadcast %jit3A_29 : f32 to vector<1024x1024xf32>
    %max3A_31 = arith.maximumf %max3A_30, %sub3A_28 : vector<1024x1024xf32>
    %mul3A = arith.mulf %max3A_21, %max3A_31 : vector<1024x1024xf32>
    %sub3A_32 = arith.subf %slice3A_10, %slice3A : vector<1024x1xf32>
    %sub3A_33 = arith.subf %slice3A_11, %slice3A_9 : vector<1024x1xf32>
    %mul3A_34 = arith.mulf %sub3A_32, %sub3A_33 : vector<1024x1xf32>
    %sub3A_35 = arith.subf %slice3A_14, %slice3A_12 : vector<1x1024xf32>
    %sub3A_36 = arith.subf %slice3A_15, %slice3A_13 : vector<1x1024xf32>
    %mul3A_37 = arith.mulf %sub3A_35, %sub3A_36 : vector<1x1024xf32>
    %add3A = vector.broadcast %mul3A_34 : vector<1024x1xf32> to vector<1024x1024xf32>
    %add3A_38 = vector.broadcast %mul3A_37 : vector<1x1024xf32> to vector<1024x1024xf32>
    %add3A_39 = arith.addf %add3A, %add3A_38 : vector<1024x1024xf32>
    %sub3A_40 = arith.subf %add3A_39, %mul3A : vector<1024x1024xf32>
    %jit3A_41 = arith.constant 9.99999971E-10 : f32
    %max3A_42 = vector.broadcast %jit3A_41 : f32 to vector<1024x1024xf32>
    %max3A_43 = arith.maximumf %max3A_42, %sub3A_40 : vector<1024x1024xf32>
    %div3A = arith.divf %mul3A, %max3A_43 : vector<1024x1024xf32>
    %swap3A = arith.constant 0 : index
    %swap3A_44 = arith.constant 0 : index
    %swap3A_45 = vector.load %arg5[%swap3A, %swap3A_44] : memref<1024x1024xf32, #tpu.memory_space<vmem>>, vector<1024x1024xf32>
    tpu.vector_store %arg5[%swap3A, %swap3A_44], %div3A {strides = array<i32>} : memref<1024x1024xf32, #tpu.memory_space<vmem>>, vector<1024x1024xf32>,
    %get3A_46 = arith.constant 0 : index
    %get3A_47 = arith.constant 0 : index
    %get3A_48 = arith.constant 0 : index
    %get3A_49 = vector.load %arg3[%get3A_46, %get3A_47, %get3A_48] : memref<1x1x1024xf32, #tpu.memory_space<vmem>>, vector<1x1x1024xf32>
    %get3A_50 = vector.shape_cast %get3A_49 : vector<1x1x1024xf32> to vector<1x1024xf32>
    %iota3A = tpu.iota {dimensions = array<i32: 1>} : vector<1x1024xi32>
    %scan3A = arith.constant 0 : i32
    %scan3A_51 = arith.constant 1000 : i32
    %scan3A_52 = arith.addi %scan3A, %scan3A_51 : i32
    %scan3A_53 = arith.constant 1 : i32
    %scan3A_54 = scf.for %scan3A_62 = %scan3A to %scan3A_52 step %scan3A_53 iter_args(%scan3A_63 = %get3A_50) -> (vector<1x1024xf32>)  : i32 {
      %get3A_64 = arith.index_cast %scan3A_62 : i32 to index
      %get3A_65 = arith.constant 0 : index
      %get3A_66 = vector.load %arg5[%get3A_64, %get3A_65] : memref<1024x1024xf32, #tpu.memory_space<vmem>>, vector<1x1024xf32>
      %eq3A = vector.broadcast %scan3A_62 : i32 to vector<1x1024xi32>
      %eq3A_67 = arith.cmpi eq, %iota3A, %eq3A : vector<1x1024xi32>
      %jit3A_68 = arith.constant 0.000000e+00 : f32
      %broadcast_in_dim3A = vector.broadcast %jit3A_68 : f32 to vector<1x1024xf32>
      %select_n3A = arith.select %eq3A_67, %scan3A_63, %broadcast_in_dim3A : vector<1x1024xi1>, vector<1x1024xf32>
      %reduce_sum3A = vector.shape_cast %select_n3A : vector<1x1024xf32> to vector<1x1x1024xf32>
      %reduce_sum3A_69 = arith.constant dense<0.000000e+00> : vector<1xf32>
      %reduce_sum3A_70 = vector.multi_reduction <add>, %reduce_sum3A, %reduce_sum3A_69 [1, 2] : vector<1x1x1024xf32> to vector<1xf32>
      %reduce_sum3A_71 = vector.shape_cast %reduce_sum3A_70 : vector<1xf32> to vector<1x1x1xf32>
      %reduce_sum3A_72 = vector.extract %reduce_sum3A_71[0, 0, 0] : f32 from vector<1x1x1xf32>
      %gt3A = arith.constant 0.000000e+00 : f32
      %gt3A_73 = arith.cmpf ogt, %reduce_sum3A_72, %gt3A : f32
      %gt3A_74 = arith.constant 6.000000e-01 : f32
      %gt3A_75 = vector.broadcast %gt3A_74 : f32 to vector<1x1024xf32>
      %gt3A_76 = arith.cmpf ogt, %get3A_66, %gt3A_75 : vector<1x1024xf32>
      %gt3A_77 = vector.broadcast %scan3A_62 : i32 to vector<1x1024xi32>
      %gt3A_78 = arith.cmpi sgt, %iota3A, %gt3A_77 : vector<1x1024xi32>
      %and3A = arith.andi %gt3A_76, %gt3A_78 : vector<1x1024xi1>
      %jit3A_79 = arith.constant 0.000000e+00 : f32
      %broadcast_in_dim3A_80 = vector.broadcast %jit3A_79 : f32 to vector<1x1024xf32>
      %select_n3A_81 = arith.select %and3A, %broadcast_in_dim3A_80, %scan3A_63 : vector<1x1024xi1>, vector<1x1024xf32>
      %select_n3A_82 = arith.select %gt3A_73, %select_n3A_81, %scan3A_63 : vector<1x1024xf32>
      scf.yield %select_n3A_82 : vector<1x1024xf32>
    }
    %scan3A_55 = arith.constant 1000 : i32
    %swap3A_56 = arith.constant 0 : index
    %swap3A_57 = arith.constant 0 : index
    %swap3A_58 = arith.constant 0 : index
    %swap3A_59 = vector.load %arg4[%swap3A_56, %swap3A_57, %swap3A_58] : memref<1x1x1024xf32, #tpu.memory_space<vmem>>, vector<1x1x1024xf32>
    %swap3A_60 = vector.shape_cast %swap3A_59 : vector<1x1x1024xf32> to vector<1x1024xf32>
    %swap3A_61 = vector.shape_cast %scan3A_54 : vector<1x1024xf32> to vector<1x1x1024xf32>
    tpu.vector_store %arg4[%swap3A_56, %swap3A_57, %swap3A_58], %swap3A_61 {strides = array<i32>} : memref<1x1x1024xf32, #tpu.memory_space<vmem>>, vector<1x1x1024xf32>,
    return
  }
  func.func @transform_0(%arg0: i32) -> (i32, i32, i32) {
    %c0_i32 = arith.constant 0 : i32
    %c0_i32_0 = arith.constant 0 : i32
    %c0_i32_1 = arith.constant 0 : i32
    return %arg0, %c0_i32, %c0_i32_0 : i32, i32, i32
  }
  func.func @transform_1(%arg0: i32) -> (i32, i32, i32) {
    %c0_i32 = arith.constant 0 : i32
    %c0_i32_0 = arith.constant 0 : i32
    %c0_i32_1 = arith.constant 0 : i32
    return %arg0, %c0_i32, %c0_i32_0 : i32, i32, i32
  }
  func.func @transform_2(%arg0: i32) -> (i32, i32, i32) {
    %c0_i32 = arith.constant 0 : i32
    %c0_i32_0 = arith.constant 0 : i32
    %c0_i32_1 = arith.constant 0 : i32
    return %arg0, %c0_i32, %c0_i32_0 : i32, i32, i32
  }
  func.func @transform_3(%arg0: i32) -> (i32, i32, i32) {
    %c0_i32 = arith.constant 0 : i32
    %c0_i32_0 = arith.constant 0 : i32
    %c0_i32_1 = arith.constant 0 : i32
    return %arg0, %c0_i32, %c0_i32_0 : i32, i32, i32
  }
}

</mosaic_0001>

<sc_bundles>
// kernel: gather_offload_async_start.1
scs
__scs_entry_jumppad:
0x0: {  	(pc) =	sbr.rel $0x88, $3  }
0x1: {  	(tag) =	ssettag $0x0;
	lr =	simm.s32 $0x1  }
0x2: {  	[smem:$0x3F9C] =	sst lr;
	_ =	strace $0xD0000000  }
0x3: {  	_ = 	snop  }
0x4: {  	_ = 	snop  }
0x5: {  	_ = 	snop  }
0x6: {  	_ = 	snop  }
0x7: {  	_ = 	snop  }
__scs_overlays_trampoline_lowered:
0x8: {  	[smem:$0x3FAB] =	sst s0  }
0x9: {  	[smem:$0x3FAC] =	sst s1  }
0xa: {  	[smem:$0x3FAD] =	sst s2  }
0xb: {  	[smem:$0x3FAE] =	sst s3  }
0xc: {  	[smem:$0x3FAF] =	sst s4  }
0xd: {  	[smem:$0x3FB0] =	sst s5  }
0xe: {  	[smem:$0x3FB1] =	sst s6  }
0xf: {  	[smem:$0x3FB2] =	sst s7  }
0x10: {  	[smem:$0x3FB3] =	sst s8  }
0x11: {  	[smem:$0x3FB4] =	sst s9;
	s0 =	simm.s32 @!p0 $0x0  }
0x12: {  	s1 =	sld [smem:$0x3F9A];
	s0 =	simm.s32 @p0 $0x1  }
0x13: {  	[smem:$0x3FB5] =	sst s0;
	s0 =	simm.s32 @!p1 $0x0  }
0x14: {  	s2 =	sld [smem:$0x3F99];
	s0 =	simm.s32 @p1 $0x1  }
0x15: {  	[smem:$0x3FB6] =	sst s0;
	s0 =	simm.s32 @!p2 $0x0  }
0x16: {  	s3 =	sld [smem:$0x3FDB];
	s0 =	simm.s32 @p2 $0x1  }
0x17: {  	s4 =	simm.s32 $0x1BF5;
	[smem:$0x3FB8] =	sst s0  }
0x18: {  	s0 =	sld [smem:$0x3F9B];
	_ =	swait.ge [sflag:s4], $0x0  }
0x19: {  	s7 =	sld [smem:$0x3F9C]  }
0x1a: {  	s8 =	sadd.s32 $0xFFFFE003, lr  }
0x1b: {  	s9 =	sadd.s32 $0xFFFFFEF7, lr;
	s5 =	simm.s32 $0xFFFFFFFF;
	p2 =	slt.u32 s8, $0xFFFFF086  }
0x1c: {  	p1 =	slt.u32 s9, $0xF7A;
	s5 =	simm.s32 @!p2 $0x0  }
0x1d: {  	s5 =	simm.s32 @p1 $0x1;
	p0 =	seq.s32 s7, s2  }
0x1e: {  	s7 =	smul.u32 @!p0 $0xF7A, s2;
	p2 =	seq.s32 @!p0 s5, $0x0  }
0x1f: {  	s9 =	smul.u32 $0xF7A, s1;
	s8 =	simm.s32 @!p0 $0x1BF5;
	p2 =	por !p2, p0  }
0x20: {  	[sflag:s8] =	ssyncset.s32 @!p0 $0xFFFFF086;
	s6 =	sadd.s32 @!p0 s3, s7;
	s7 =	simm.s32 @!p0 $0x108  }
0x21: {  	s3 =	sadd.s32 s3, s9;
	s6 =	sadd.s32 @!p0 $0x88, s6;
	s7 =	simm.s32 @p2 $0x1082  }
0x22: {  	[simem:s7], [sflag:s8] =	dma.local @!p0 [hbm:s6], $0xF7A  }
0x23: {  	s9 =	sor.u32 $0xD0000000, s2;
	s6 =	simm.s32 $0x108;
	_ =	swait.ge @!p0 [sflag:s8], $0x0  }
0x24: {  	s3 =	sadd.s32 $0x88, s3;
	s6 =	simm.s32 @!p1 $0x1082;
	[sflag:s4] =	ssyncset.s32 $0xFFFFF086  }
0x25: {  	[simem:s6], [sflag:s4] =	dma.local [hbm:s3], $0xF7A  }
0x26: {  	[smem:$0x3F9C] =	sst s1;
	(tag) =	ssettag s2;
	_ =	strace s9  }
0x27: {  	s1 =	sld [smem:$0x3FAC]  }
0x28: {  	s2 =	sld [smem:$0x3FAD]  }
0x29: {  	s4 =	sld [smem:$0x3FAF]  }
0x2a: {  	p0 =	seq.s32 s5, $0x0;
	s5 =	sld [smem:$0x3FB0]  }
0x2b: {  	s6 =	sld [smem:$0x3FB1]  }
0x2c: {  	s7 =	sld [smem:$0x3FB2]  }
0x2d: {  	s3 =	simm.s32 $0x108;
	s8 =	sld [smem:$0x3FB3]  }
0x2e: {  	s3 =	simm.s32 @!p0 $0x1082;
	s9 =	sld [smem:$0x3FB4]  }
0x2f: {  	lr =	sadd.s32 s0, s3;
	s0 =	sld [smem:$0x3FAB]  }
0x30: {  	s3 =	sld [smem:$0x3FAE]  }
0x31: {  	[smem:$0x3FB7] =	sst s10  }
0x32: {  	s10 =	sld [smem:$0x3FB5];
	_ =	sdelay $0x3  }
0x33: {  	p0 =	seq.s32 s10, $0x1;
	s10 =	sld [smem:$0x3FB7];
	_ =	sdelay $0x3  }
0x34: {  	[smem:$0x3FB7] =	sst s10  }
0x35: {  	s10 =	sld [smem:$0x3FB6];
	_ =	sdelay $0x3  }
0x36: {  	p1 =	seq.s32 s10, $0x1;
	s10 =	sld [smem:$0x3FB7];
	_ =	sdelay $0x3  }
0x37: {  	[smem:$0x3FB7] =	sst s10  }
0x38: {  	s10 =	sld [smem:$0x3FB8]  }
0x39: {  	_ = 	snop;
	(pc) =	sbr.ind lr, $3  }
0x3a: {  	_ = 	snop  }
0x3b: {  	_ = 	snop  }
0x3c: {  	p2 =	seq.s32 s10, $0x1;
	s10 =	sld [smem:$0x3FB7]  }
0x3d: {  	_ =	shalt  }
0x3e: {  	_ =	shalt  }
0x3f: {  	_ =	shalt  }
0x40: {  	_ =	shalt  }
0x41: {  	_ =	shalt  }
0x42: {  	_ =	shalt  }
0x43: {  	_ =	shalt  }
0x44: {  	_ =	shalt  }
0x45: {  	_ =	shalt  }
0x46: {  	_ =	shalt  }
0x47: {  	_ =	shalt  }
0x48: {  	_ =	shalt  }
0x49: {  	_ =	shalt  }
0x4a: {  	_ =	shalt  }
0x4b: {  	_ =	shalt  }
0x4c: {  	_ =	shalt  }
0x4d: {  	_ =	shalt  }
0x4e: {  	_ =	shalt  }
0x4f: {  	_ =	shalt  }
0x50: {  	_ =	shalt  }
0x51: {  	_ =	shalt  }
0x52: {  	_ =	shalt  }
0x53: {  	_ =	shalt  }
0x54: {  	_ =	shalt  }
0x55: {  	_ =	shalt  }
0x56: {  	_ =	shalt  }
0x57: {  	_ =	shalt  }
0x58: {  	_ =	shalt  }
0x59: {  	_ =	shalt  }
0x5a: {  	_ =	shalt  }
0x5b: {  	_ =	shalt  }
0x5c: {  	_ =	shalt  }
0x5d: {  	_ =	shalt  }
0x5e: {  	_ =	shalt  }
0x5f: {  	_ =	shalt  }
0x60: {  	_ =	shalt  }
0x61: {  	_ =	shalt  }
0x62: {  	_ =	shalt  }
0x63: {  	_ =	shalt  }
0x64: {  	_ =	shalt  }
0x65: {  	_ =	shalt  }
0x66: {  	_ =	shalt  }
0x67: {  	_ =	shalt  }
0x68: {  	_ =	shalt  }
0x69: {  	_ =	shalt  }
0x6a: {  	_ =	shalt  }
0x6b: {  	_ =	shalt  }
0x6c: {  	_ =	shalt  }
0x6d: {  	_ =	shalt  }
0x6e: {  	_ =	shalt  }
0x6f: {  	_ =	shalt  }
0x70: {  	_ =	shalt  }
0x71: {  	_ =	shalt  }
0x72: {  	_ =	shalt  }
0x73: {  	_ =	shalt  }
0x74: {  	_ =	shalt  }
0x75: {  	_ =	shalt  }
0x76: {  	_ =	shalt  }
0x77: {  	_ =	shalt  }
0x78: {  	_ =	shalt  }
0x79: {  	_ =	shalt  }
0x7a: {  	_ =	shalt  }
0x7b: {  	_ =	shalt  }
0x7c: {  	_ =	shalt  }
0x7d: {  	_ =	shalt  }
0x7e: {  	_ =	shalt  }
0x7f: {  	_ =	shalt  }
0x80: {  	_ =	shalt  }
0x81: {  	_ =	shalt  }
0x82: {  	_ =	shalt  }
0x83: {  	_ =	shalt  }
0x84: {  	_ =	shalt  }
0x85: {  	_ =	shalt  }
0x86: {  	_ =	shalt  }
0x87: {  	_ =	shalt  }
.Lfunc_end0:
.L_simem_size_0:
called_computation.1_lowered:
.L_overlay_start_0:
0x88: {  	s0 =	sld [smem:$0x3FD9]  }
0x89: {  	s1 =	sld [smem:$0x3FFE];
	_ =	sdelay $0x3  }
0x8a: {  	s0 =	sadd.s32 s1, s0  }
0x8b: {  	[smem:$0x3FC3] =	sst s0  }
0x8c: {  	_ = 	snop  }
0x8d: {  	(tm) =	ssettm $0x1  }
0x8e: {  	s15 =	sld [smem:$0x3FFB];
	_ =	sdelay $0x3  }
0x8f: {  	_ =	strace s15  }
0x90: {  	s0 =	sld [smem:$0x3FFC];
	_ =	sdelay $0x3  }
0x91: {  	_ =	strace s0  }
0x92: {  	s0 =	sld [smem:$0x3FFD];
	_ =	sdelay $0x3  }
0x93: {  	_ =	strace s0  }
0x94: {  	_ =	strace $0x8FFFFFFF  }
0x95: {  	s16 =	sld [smem:$0x3FDB];
	_ =	sdelay $0x1  }
0x96: {  	s17 =	simm.s32 $_scs_section_size  }
0x97: {  	s2 =	simm.s32 $_size__tile_overlayer_lowered;
	s3 =	simm.s32 $_tile_overlayer_lowered  }
0x98: {  	s20 =	simm.s32 $0x1BFF;
	s19 =	sshll.u32 s3, $0x1;
	s0 =	sadd.s32 s17, s16  }
0x99: {  	s4 =	simm.s32 $0x0;
	s18 =	sshll.u32 s2, $0x1;
	s2 =	sadd.s32 s19, s0  }
0x9a: {  	[timem:s4], [sflag:s20] =	dma.local [hbm:s2], s18  }
0x9b: {  	_ =	swait.ge [sflag:s20], s18  }
0x9c: {  	s1 =	ssub.s32 $0x0, s18;
	[sflag:s20] =	ssyncset.done $0x0  }
0x9d: {  	[sflag:s20] =	ssyncadd.s32 s1;
	_ =	sdelay $0x1  }
0x9e: {  	s21 =	simm.s32 $0x1B8B  }
0x9f: {  	_ =	swait.ge [sflag:s21], $0x1  }
0xa0: {  	[sflag:s21] =	ssyncset.done $0x0  }
0xa1: {  	s23 =	simm.s32 $0x1B8E;
	s22 =	sld [smem:$0x3FFE];
	[sflag:s21] =	ssyncadd.s32 $0xFFFFFFFF  }
0xa2: {  	s24 =	simm.s32 $execute0_lowered;
	[smem:$0x3FD2] =	sst s23  }
0xa3: {  	s2 =	sshll.u32 s24, $0x1;
	_ =	strace $0x80000049;
	[dreg:$0x1] =	wrdreg $0xFFFFFFFF  }
0xa4: {  	s25 =	simm.s32 $_size_execute0_lowered;
	s0 =	sadd.s32 s0, s2;
	[dreg:$0x0] =	wrdreg $0x0  }
0xa5: {  	s2 =	sshll.u32 s25, $0x1;
	[dreg:$0x2] =	wrdreg s0  }
0xa6: {  	[dreg:$0x3] =	wrdreg s2  }
0xa7: {  	[dreg:$0x4] =	wrdreg $0xC0  }
0xa8: {  	_ =	task [dreg:s4], $0x5FFFF  }
0xa9: {  	[dreg:$0x1] =	wrdreg $0xFFFFFFFF  }
0xaa: {  	[dreg:$0x0] =	wrdreg $0x60  }
0xab: {  	[dreg:$0x2] =	wrdreg s22  }
0xac: {  	[dreg:$0x3] =	wrdreg $0xA  }
0xad: {  	_ =	task.clear_ibuf [dreg:s4], $0x4FFFF;
	_ =	strace $0x90000049  }
0xae: {  	s26 =	simm.s32 $0xA;
	_ =	strace $0x8000004B  }
0xaf: {  	_ =	swait.ge [sflag:s26], $0x1  }
0xb0: {  	[sflag:s26] =	ssyncadd.s32 $0xFFFFFFFF  }
0xb1: {  	_ =	strace $0x9000004B  }
0xb2: {  	_ =	sfence  }
0xb3: {  	s28 =	sld [smem:$0x0];
	_ =	sdelay $0x1  }
0xb4: {  	s29 =	srdreg.scid  }
0xb5: {  	s30 =	sshll.u32 s29, $0xD;
	s31 =	sshrl.u32 s29, $0x2  }
0xb6: {  	s1 =	sand.u32 $0x1, s29;
	s2 =	sand.u32 $0x4000, s30;
	s0 =	sadd.s32 s31, s28  }
0xb7: {  	s1 =	sor.u32 s2, s1;
	s0 =	sshll.u32 s0, $0x11  }
0xb8: {  	s0 =	sor.u32 s0, s1  }
0xb9: {  	s0 =	sadd.s32 $0x8F2B, s0  }
0xba: {  	[sflag:s0] =	ssyncadd.remote.s32 $0x1  }
0xbb: {  	_ =	sfence.sel $0xFFFF  }
0xbc: {  	[dreg:$0x0] =	wrdreg $0xFFFFFFFF;
	(pc) =	sbr.abs _section_cstart, $3  }
0xbd: {  	[dreg:$0x1] =	wrdreg $0xFFFFFFFF  }
0xbe: {  	_ =	task.clear_ibuf [dreg:s4], $0x2FFFF;
	_ =	strace $0x9FFFFFFF  }
0xbf: {  	(tm) =	ssettm $0x7FFFFFFF  }
tec
execute0_lowered:
.L_overlay_start_1:
0x0: {  	(tag) =	ssettag $0x1  }
0x1: {  	s0 =	stileid.u32  }
0x2: {  	s1 =	smin.u32 s0, $0x9  }
0x3: {  	s1 =	sadd.s32 s0, s1  }
0x4: {  	p0 =	slt.u32 s0, $0x9;
	s2 =	smul.u32 $0x50, s1;
	s1 =	simm.s32 $0xA0  }
0x5: {  	s1 =	simm.s32 @!p0 $0x50  }
0x6: {  	s1 =	sadd.s32 s1, s2  }
0x7: {  	s3 =	smin.u32 s1, $0x7D0  }
0x8: {  	s7 =	ssub.s32 s3, s2  }
0x9: {  	p0 =	sgt.s32 s7, $0x0  }
0xa: {  	s7 =	simm.s32 @!p0 $0x0  }
0xb: {  	s31 =	smul.u32 $0xCCCD, s7  }
0xc: {  	s9 =	rddreg [dreg:$0x0];
	s6 =	simm.s32 $0x1;
	s11 =	simm.s32 $0x3  }
0xd: {  	s13 =	simm.s32 $0x0;
	s12 =	simm.s32 $0x0;
	s8 =	sshrl.u32 s31, $0x16  }
0xe: {  	s4 =	sadd.s32 $0x48200, s9;
	s5 =	sadd.s32 $0x48000, s9;
	s10 =	smul.u32 $0x50, s8  }
.Ltmp0:
0xf: {  	s9 =	sadd.s32 $0xC8200, s9;
	s1 =	rddreg [dreg:$0x1];
	(pc) =	sbr.rel .LBB2_1-.Ltmp0, $4  }
0x10: {  	_ =	strace $0x8000004A;
	p0 =	sne.s32 s7, s10;
	s10 =	simm.s32 $0x1  }
0x11: {  	[sflag:s6] =	ssyncpa.u1 $0x0;
	s7 =	simm.s32 $0x2;
	s10 =	simm.s32 @!p0 $0x0  }
0x12: {  	[sflag:s7] =	ssyncpa.u1 $0x0;
	p0 =	por $0x0, $0x0;
	s8 =	sadd.s32 s8, s10  }
0x13: {  	vm0 =	vmmov $0xff;
	vm1 =	vcmask $0x3F20;
	[sflag:s11] =	ssyncpa.u1 $0x0;
	s11 =	smov.u32 s2;
	s10 =	sadd.s32 $0x1, s8  }
.LBB2_6:
0x14: {  	[hbm:s17] =	stream.linear.scatter [tilespmem:s14], [sflag:$0x3], $0x400, $0x38;
	[tilespmem:$0x50A0] =	vst v63  }
.LBB2_7:
0x15: {  	s13 =	sadd.s32 $0x50, s11  }
0x16: {  	s15 =	smov.u32 s2;
	p2 =	slt.s32 s13, s3  }
0x17: {  	s15 =	smov.u32 @p2 s13;
	p2 =	sne.s32 s12, s10  }
.Ltmp1:
0x18: {  	p1 =	slt.u32 s12, $0x2;
	(pc) =	sbr.rel @!p2 .LBB2_8-.Ltmp1, $4  }
0x19: {  	s14 =	simm.s32 @!p1 $0x3  }
0x1a: {  	s16 =	sadd.s32 $0x1, s12;
	_ =	swait.ge @!p1 [sflag:s14], $0x2800  }
0x1b: {  	p0 =	por !p0, !p0;
	s13 =	smov.u32 s11;
	[sflag:s14] =	ssyncset.done @!p1 $0x0  }
0x1c: {  	s12 =	smov.u32 s16;
	s11 =	smov.u32 s15;
	[sflag:s14] =	ssyncadd.s32 @!p1 $0xFFFFD800  }
.LBB2_1:
0x1d: {  	p1 =	sge.u32 s12, s8  }
0x1e: {  	s14 =	sxor.u32 @!p1 $0xFFFFFFFF, s12  }
0x1f: {  	s14 =	sand.u32 @!p1 $0x1, s14  }
0x20: {  	s14 =	smul.u32 @!p1 $0x140, s14  }
0x21: {  	s31 =	sadd.s32 $0xFFFFFFFF, s12;
	s15 =	sshrl.u32 @!p1 s11, $0x3  }
0x22: {  	s16 =	sand.u32 @!p1 $0x7, s11;
	s15 =	sadd.s32 @!p1 s5, s15;
	s14 =	sshrl.u32 @!p1 s14, $0x2  }
0x23: {  	[tilespmem:s14], [sflag:$0x2] =	stream.linear.gather @!p1 [hbm4b:s15+s16], $0x50, $0x38;
	[tilespmem:$0x50A0] =	vst v63  }
0x24: {  	p1 =	sge.u32 s31, s8  }
.Ltmp2:
0x25: {  	_ = 	snop;
	(pc) =	sbr.rel @p1 .LBB2_7-.Ltmp2, $1  }
0x26: {  	_ =	sdelay $0x3  }
0x27: {  	s14 =	simm.s32 $0x1  }
0x28: {  	s14 =	simm.s32 @!p0 $0x0  }
0x29: {  	s15 =	smul.u32 $0x140, s14  }
0x2a: {  	_ =	swait.ge [sflag:s7], $0x50  }
0x2b: {  	[sflag:s7] =	ssyncset.done $0x0;
	s16 =	sshrl.u32 s15, $0x2  }
0x2c: {  	[sflag:s7] =	ssyncadd.s32 $0xFFFFFFB0;
	s15 =	sadd.s32 $0x0, s16  }
0x2d: {  	v0 =	vld.msk [tilespmem:s15+$0x0 ss:$0x1], $0xffff;
	_ =	sdelay $0x4  }
0x2e: {  	v1 =	vshll.u32 v0, $0x6  }
0x2f: {  	vm2 =	veq.s32 v0, $0x80000000;
	v0 =	vshll.u32 v0, $0x15;
	v1 =	vand.u32 $0x1FFF80, v1  }
0x30: {  	v0 =	vand.u32 $0x200000, v0;
	v1 =	vsel vm2, $0xFFFFFF80, v1  }
0x31: {  	v0 =	vsel vm2, $0xFFE00000, v0;
	v2 =	vand.u32 $0xFFFFFC00, v1  }
0x32: {  	v1 =	vand.u32 $0x380, v1;
	v0 =	vadd.s32 v0, v2  }
0x33: {  	v0 =	vor.u32 v1, v0  }
0x34: {  	v0 =	vshrl.u32 v0, $0x3  }
0x35: {  	s14 =	smul.u32 $0xA000, s14;
	_ =	sdelay $0x1  }
0x36: {  	s14 =	sshrl.u32 s14, $0x2  }
0x37: {  	s14 =	sor.u32 $0xA0, s14  }
0x38: {  	[tilespmem:s14], [sflag:$0x1] =	stream.indirect_vreg.gather [hbm:s4], $0x80, v0, vm0, $0x38;
	[tilespmem:$0x50A0] =	vst v63  }
0x39: {  	s17 =	sadd.s32 $0x10, s16;
	s15 =	sadd.s32 $0x400, s14  }
0x3a: {  	[tilespmem:s15], [sflag:$0x1] =	stream.indirect_vreg.gather [hbm:s4], $0x80, v0, vm1, $0x38;
	[tilespmem:$0x50A0] =	vst v63  }
0x3b: {  	s18 =	simm.s32 $0x80;
	v0 =	vld.msk [tilespmem:s17+$0x0 ss:$0x1], $0xffff;
	s17 =	smov.u32 s14  }
.LBB2_3:
0x3c: {  	p1 =	sne.s32 s18, $0x100;
	_ =	sdelay $0x4  }
0x3d: {  	v1 =	vshll.u32 v0, $0x6  }
0x3e: {  	vm2 =	veq.s32 v0, $0x80000000;
	v0 =	vshll.u32 v0, $0x15;
	v1 =	vand.u32 $0x1FFF80, v1  }
0x3f: {  	v0 =	vand.u32 $0x200000, v0;
	v1 =	vsel vm2, $0xFFFFFF80, v1  }
0x40: {  	v0 =	vsel vm2, $0xFFE00000, v0;
	v2 =	vand.u32 $0xFFFFFC00, v1  }
0x41: {  	v1 =	vand.u32 $0x380, v1;
	v0 =	vadd.s32 v0, v2  }
0x42: {  	v0 =	vor.u32 v1, v0  }
0x43: {  	v0 =	vshrl.u32 v0, $0x3;
	_ =	sdelay $0x3  }
.Ltmp3:
0x44: {  	s19 =	sshra.s32 s18, $0x2;
	s17 =	sadd.s32 $0x800, s17;
	(pc) =	sbr.rel @p1 .LBB2_3-.Ltmp3, $4  }
0x45: {  	[tilespmem:s17], [sflag:$0x1] =	stream.indirect_vreg.gather [hbm:s4], $0x80, v0, vm0, $0x38;
	[tilespmem:$0x50A0] =	vst v63  }
0x46: {  	s19 =	sadd.s32 s19, s16;
	s20 =	sadd.s32 $0x400, s17  }
0x47: {  	[tilespmem:s20], [sflag:$0x1] =	stream.indirect_vreg.gather [hbm:s4], $0x80, v0, vm1, $0x38;
	[tilespmem:$0x50A0] =	vst v63  }
0x48: {  	s18 =	sadd.s32 $0x40, s18;
	v0 =	vld.msk [tilespmem:s19+$0x0 ss:$0x1], $0xffff  }
0x49: {  	_ =	sdelay $0x3  }
0x4a: {  	v1 =	vshll.u32 v0, $0x6  }
0x4b: {  	vm2 =	veq.s32 v0, $0x80000000;
	v63 =	vshll.u32 v0, $0x15;
	v1 =	vand.u32 $0x1FFF80, v1  }
0x4c: {  	v0 =	vand.u32 $0x200000, v63;
	v1 =	vsel vm2, $0xFFFFFF80, v1  }
0x4d: {  	v0 =	vsel vm2, $0xFFE00000, v0;
	v2 =	vand.u32 $0xFFFFFC00, v1  }
0x4e: {  	v1 =	vand.u32 $0x380, v1;
	v0 =	vadd.s32 v0, v2  }
0x4f: {  	v0 =	vor.u32 v1, v0  }
0x50: {  	v0 =	vshrl.u32 v0, $0x3;
	_ =	sdelay $0x3  }
0x51: {  	s16 =	sadd.s32 $0x800, s17  }
0x52: {  	[tilespmem:s16], [sflag:$0x1] =	stream.indirect_vreg.gather [hbm:s4], $0x80, v0, vm0, $0x38;
	[tilespmem:$0x50A0] =	vst v63  }
0x53: {  	s16 =	sadd.s32 $0x400, s16  }
0x54: {  	[tilespmem:s16], [sflag:$0x1] =	stream.indirect_vreg.gather [hbm:s4], $0x80, v0, vm1, $0x38;
	[tilespmem:$0x50A0] =	vst v63  }
0x55: {  	s13 =	sshll.u32 s13, $0x4;
	_ =	swait.ge [sflag:s6], $0x2800  }
0x56: {  	s13 =	sadd.s32 s13, s9;
	[sflag:s6] =	ssyncset.done $0x0  }
0x57: {  	s17 =	sadd.s32 $0x0, s13;
	s16 =	simm.s32 $0x80;
	[sflag:s6] =	ssyncadd.s32 $0xFFFFD800  }
.LBB2_5:
0x58: {  	[hbm:s17] =	stream.linear.scatter [tilespmem:s14], [sflag:$0x3], $0x400, $0x38;
	[tilespmem:$0x50A0] =	vst v63  }
0x59: {  	s17 =	smov.u32 s16;
	s14 =	smov.u32 s15;
	p1 =	sne.s32 s16, $0x480  }
.Ltmp4:
0x5a: {  	s16 =	sadd.s32 $0x80, s16;
	(pc) =	sbr.rel @p1 .LBB2_5-.Ltmp4, $2  }
0x5b: {  	_ =	sdelay $0x2  }
0x5c: {  	s15 =	sadd.s32 $0x400, s15;
	s17 =	sadd.s32 s17, s13  }
.Ltmp5:
0x5d: {  	_ = 	snop;
	(pc) =	sbr.rel .LBB2_6-.Ltmp5, $1  }
0x5e: {  	_ =	sdelay $0x3  }
.LBB2_8:
0x5f: {  	_ =	sfence.sel $0x180000  }
0x60: {  	s2 =	simm.s32 $0x2;
	[bflag:$0x0] =	sbarrier.arrive $0xFFFF  }
0x61: {  	s30 =	simm.s32 $0x3;
	[sflag:s2] =	ssyncpa.u1 $0x1  }
0x62: {  	s31 =	simm.s32 $0x1;
	[sflag:s30] =	ssyncpa.u1 $0x1  }
0x63: {  	[sflag:s31] =	ssyncpa.u1 $0x1  }
0x64: {  	p0 =	sne.s32 s0, $0x0;
	_ =	strace $0x9000004A  }
0x65: {  	s0 =	sadd.s32 @!p0 $0x100000, s1;
	[bflag:$0x2] =	sbarrier.arrive $0xFFFF  }
0x66: {  	[sflag:s0] =	ssyncadd.tile.s32 @!p0 $0x1;
	_ =	shalt  }
.Lfunc_end2:
_tile_overlayer_lowered:
.L_overlay_start_2:
0x67: {  	(tag) =	ssettag $0x2  }
0x68: {  	s0 =	rddreg [dreg:$0x0];
	s2 =	stileid.u32  }
0x69: {  	s1 =	rddreg [dreg:$0x1];
	p0 =	sne.s32 s2, $0x0  }
0x6a: {  	s3 =	rddreg [dreg:$0x2];
	[bflag:$0x3] =	sbarrier.arrive $0xFFFF;
	s2 =	simm.s32 @!p0 $0x1C01  }
0x6b: {  	[timem:s3], [sflag:s2] =	dma.local @!p0 [hbm:s0], s1  }
0x6c: {  	s0 =	simm.s32 @!p0 $0x1  }
0x6d: {  	_ =	swait.ge @!p0 [sflag:s0], s1  }
0x6e: {  	s1 =	ssub.s32 @!p0 $0x0, s1;
	[sflag:s0] =	ssyncset.done @!p0 $0x0  }
0x6f: {  	[sflag:s0] =	ssyncadd.s32 @!p0 s1  }
0x70: {  	[bflag:$0x3] =	sbarrier.arrive $0xFFFF  }
0x71: {  	_ =	shalt  }

// kernel: gather_offload_async_start
scs
__scs_entry_jumppad:
0x0: {  	(pc) =	sbr.rel $0x88, $3  }
0x1: {  	(tag) =	ssettag $0x0;
	lr =	simm.s32 $0x1  }
0x2: {  	[smem:$0x3F9C] =	sst lr;
	_ =	strace $0xD0000000  }
0x3: {  	_ = 	snop  }
0x4: {  	_ = 	snop  }
0x5: {  	_ = 	snop  }
0x6: {  	_ = 	snop  }
0x7: {  	_ = 	snop  }
__scs_overlays_trampoline_lowered:
0x8: {  	[smem:$0x3FAB] =	sst s0  }
0x9: {  	[smem:$0x3FAC] =	sst s1  }
0xa: {  	[smem:$0x3FAD] =	sst s2  }
0xb: {  	[smem:$0x3FAE] =	sst s3  }
0xc: {  	[smem:$0x3FAF] =	sst s4  }
0xd: {  	[smem:$0x3FB0] =	sst s5  }
0xe: {  	[smem:$0x3FB1] =	sst s6  }
0xf: {  	[smem:$0x3FB2] =	sst s7  }
0x10: {  	[smem:$0x3FB3] =	sst s8  }
0x11: {  	[smem:$0x3FB4] =	sst s9;
	s0 =	simm.s32 @!p0 $0x0  }
0x12: {  	s1 =	sld [smem:$0x3F9A];
	s0 =	simm.s32 @p0 $0x1  }
0x13: {  	[smem:$0x3FB5] =	sst s0;
	s0 =	simm.s32 @!p1 $0x0  }
0x14: {  	s2 =	sld [smem:$0x3F99];
	s0 =	simm.s32 @p1 $0x1  }
0x15: {  	[smem:$0x3FB6] =	sst s0;
	s0 =	simm.s32 @!p2 $0x0  }
0x16: {  	s3 =	sld [smem:$0x3FDB];
	s0 =	simm.s32 @p2 $0x1  }
0x17: {  	s4 =	simm.s32 $0x1BF5;
	[smem:$0x3FB8] =	sst s0  }
0x18: {  	s0 =	sld [smem:$0x3F9B];
	_ =	swait.ge [sflag:s4], $0x0  }
0x19: {  	s7 =	sld [smem:$0x3F9C]  }
0x1a: {  	s8 =	sadd.s32 $0xFFFFE003, lr  }
0x1b: {  	s9 =	sadd.s32 $0xFFFFFEF7, lr;
	s5 =	simm.s32 $0xFFFFFFFF;
	p2 =	slt.u32 s8, $0xFFFFF086  }
0x1c: {  	p1 =	slt.u32 s9, $0xF7A;
	s5 =	simm.s32 @!p2 $0x0  }
0x1d: {  	s5 =	simm.s32 @p1 $0x1;
	p0 =	seq.s32 s7, s2  }
0x1e: {  	s7 =	smul.u32 @!p0 $0xF7A, s2;
	p2 =	seq.s32 @!p0 s5, $0x0  }
0x1f: {  	s9 =	smul.u32 $0xF7A, s1;
	s8 =	simm.s32 @!p0 $0x1BF5;
	p2 =	por !p2, p0  }
0x20: {  	[sflag:s8] =	ssyncset.s32 @!p0 $0xFFFFF086;
	s6 =	sadd.s32 @!p0 s3, s7;
	s7 =	simm.s32 @!p0 $0x108  }
0x21: {  	s3 =	sadd.s32 s3, s9;
	s6 =	sadd.s32 @!p0 $0x88, s6;
	s7 =	simm.s32 @p2 $0x1082  }
0x22: {  	[simem:s7], [sflag:s8] =	dma.local @!p0 [hbm:s6], $0xF7A  }
0x23: {  	s9 =	sor.u32 $0xD0000000, s2;
	s6 =	simm.s32 $0x108;
	_ =	swait.ge @!p0 [sflag:s8], $0x0  }
0x24: {  	s3 =	sadd.s32 $0x88, s3;
	s6 =	simm.s32 @!p1 $0x1082;
	[sflag:s4] =	ssyncset.s32 $0xFFFFF086  }
0x25: {  	[simem:s6], [sflag:s4] =	dma.local [hbm:s3], $0xF7A  }
0x26: {  	[smem:$0x3F9C] =	sst s1;
	(tag) =	ssettag s2;
	_ =	strace s9  }
0x27: {  	s1 =	sld [smem:$0x3FAC]  }
0x28: {  	s2 =	sld [smem:$0x3FAD]  }
0x29: {  	s4 =	sld [smem:$0x3FAF]  }
0x2a: {  	p0 =	seq.s32 s5, $0x0;
	s5 =	sld [smem:$0x3FB0]  }
0x2b: {  	s6 =	sld [smem:$0x3FB1]  }
0x2c: {  	s7 =	sld [smem:$0x3FB2]  }
0x2d: {  	s3 =	simm.s32 $0x108;
	s8 =	sld [smem:$0x3FB3]  }
0x2e: {  	s3 =	simm.s32 @!p0 $0x1082;
	s9 =	sld [smem:$0x3FB4]  }
0x2f: {  	lr =	sadd.s32 s0, s3;
	s0 =	sld [smem:$0x3FAB]  }
0x30: {  	s3 =	sld [smem:$0x3FAE]  }
0x31: {  	[smem:$0x3FB7] =	sst s10  }
0x32: {  	s10 =	sld [smem:$0x3FB5];
	_ =	sdelay $0x3  }
0x33: {  	p0 =	seq.s32 s10, $0x1;
	s10 =	sld [smem:$0x3FB7];
	_ =	sdelay $0x3  }
0x34: {  	[smem:$0x3FB7] =	sst s10  }
0x35: {  	s10 =	sld [smem:$0x3FB6];
	_ =	sdelay $0x3  }
0x36: {  	p1 =	seq.s32 s10, $0x1;
	s10 =	sld [smem:$0x3FB7];
	_ =	sdelay $0x3  }
0x37: {  	[smem:$0x3FB7] =	sst s10  }
0x38: {  	s10 =	sld [smem:$0x3FB8]  }
0x39: {  	_ = 	snop;
	(pc) =	sbr.ind lr, $3  }
0x3a: {  	_ = 	snop  }
0x3b: {  	_ = 	snop  }
0x3c: {  	p2 =	seq.s32 s10, $0x1;
	s10 =	sld [smem:$0x3FB7]  }
0x3d: {  	_ =	shalt  }
0x3e: {  	_ =	shalt  }
0x3f: {  	_ =	shalt  }
0x40: {  	_ =	shalt  }
0x41: {  	_ =	shalt  }
0x42: {  	_ =	shalt  }
0x43: {  	_ =	shalt  }
0x44: {  	_ =	shalt  }
0x45: {  	_ =	shalt  }
0x46: {  	_ =	shalt  }
0x47: {  	_ =	shalt  }
0x48: {  	_ =	shalt  }
0x49: {  	_ =	shalt  }
0x4a: {  	_ =	shalt  }
0x4b: {  	_ =	shalt  }
0x4c: {  	_ =	shalt  }
0x4d: {  	_ =	shalt  }
0x4e: {  	_ =	shalt  }
0x4f: {  	_ =	shalt  }
0x50: {  	_ =	shalt  }
0x51: {  	_ =	shalt  }
0x52: {  	_ =	shalt  }
0x53: {  	_ =	shalt  }
0x54: {  	_ =	shalt  }
0x55: {  	_ =	shalt  }
0x56: {  	_ =	shalt  }
0x57: {  	_ =	shalt  }
0x58: {  	_ =	shalt  }
0x59: {  	_ =	shalt  }
0x5a: {  	_ =	shalt  }
0x5b: {  	_ =	shalt  }
0x5c: {  	_ =	shalt  }
0x5d: {  	_ =	shalt  }
0x5e: {  	_ =	shalt  }
0x5f: {  	_ =	shalt  }
0x60: {  	_ =	shalt  }
0x61: {  	_ =	shalt  }
0x62: {  	_ =	shalt  }
0x63: {  	_ =	shalt  }
0x64: {  	_ =	shalt  }
0x65: {  	_ =	shalt  }
0x66: {  	_ =	shalt  }
0x67: {  	_ =	shalt  }
0x68: {  	_ =	shalt  }
0x69: {  	_ =	shalt  }
0x6a: {  	_ =	shalt  }
0x6b: {  	_ =	shalt  }
0x6c: {  	_ =	shalt  }
0x6d: {  	_ =	shalt  }
0x6e: {  	_ =	shalt  }
0x6f: {  	_ =	shalt  }
0x70: {  	_ =	shalt  }
0x71: {  	_ =	shalt  }
0x72: {  	_ =	shalt  }
0x73: {  	_ =	shalt  }
0x74: {  	_ =	shalt  }
0x75: {  	_ =	shalt  }
0x76: {  	_ =	shalt  }
0x77: {  	_ =	shalt  }
0x78: {  	_ =	shalt  }
0x79: {  	_ =	shalt  }
0x7a: {  	_ =	shalt  }
0x7b: {  	_ =	shalt  }
0x7c: {  	_ =	shalt  }
0x7d: {  	_ =	shalt  }
0x7e: {  	_ =	shalt  }
0x7f: {  	_ =	shalt  }
0x80: {  	_ =	shalt  }
0x81: {  	_ =	shalt  }
0x82: {  	_ =	shalt  }
0x83: {  	_ =	shalt  }
0x84: {  	_ =	shalt  }
0x85: {  	_ =	shalt  }
0x86: {  	_ =	shalt  }
0x87: {  	_ =	shalt  }
.Lfunc_end0:
.L_simem_size_0:
called_computation_lowered:
.L_overlay_start_0:
0x88: {  	s0 =	sld [smem:$0x3FD9]  }
0x89: {  	s1 =	sld [smem:$0x3FFE];
	_ =	sdelay $0x3  }
0x8a: {  	s0 =	sadd.s32 s1, s0  }
0x8b: {  	[smem:$0x3FC3] =	sst s0  }
0x8c: {  	_ = 	snop  }
0x8d: {  	(tm) =	ssettm $0x1  }
0x8e: {  	s15 =	sld [smem:$0x3FFB];
	_ =	sdelay $0x3  }
0x8f: {  	_ =	strace s15  }
0x90: {  	s0 =	sld [smem:$0x3FFC];
	_ =	sdelay $0x3  }
0x91: {  	_ =	strace s0  }
0x92: {  	s0 =	sld [smem:$0x3FFD];
	_ =	sdelay $0x3  }
0x93: {  	_ =	strace s0  }
0x94: {  	_ =	strace $0x8FFFFFFF  }
0x95: {  	s16 =	sld [smem:$0x3FDB];
	_ =	sdelay $0x1  }
0x96: {  	s17 =	simm.s32 $_scs_section_size  }
0x97: {  	s2 =	simm.s32 $_size__tile_overlayer_lowered;
	s3 =	simm.s32 $_tile_overlayer_lowered  }
0x98: {  	s20 =	simm.s32 $0x1BFF;
	s19 =	sshll.u32 s3, $0x1;
	s0 =	sadd.s32 s17, s16  }
0x99: {  	s4 =	simm.s32 $0x0;
	s18 =	sshll.u32 s2, $0x1;
	s2 =	sadd.s32 s19, s0  }
0x9a: {  	[timem:s4], [sflag:s20] =	dma.local [hbm:s2], s18  }
0x9b: {  	_ =	swait.ge [sflag:s20], s18  }
0x9c: {  	s1 =	ssub.s32 $0x0, s18;
	[sflag:s20] =	ssyncset.done $0x0  }
0x9d: {  	[sflag:s20] =	ssyncadd.s32 s1;
	_ =	sdelay $0x1  }
0x9e: {  	s21 =	simm.s32 $0x1B8B  }
0x9f: {  	_ =	swait.ge [sflag:s21], $0x1  }
0xa0: {  	[sflag:s21] =	ssyncset.done $0x0  }
0xa1: {  	s23 =	simm.s32 $0x1B8E;
	s22 =	sld [smem:$0x3FFE];
	[sflag:s21] =	ssyncadd.s32 $0xFFFFFFFF  }
0xa2: {  	s24 =	simm.s32 $execute0_lowered;
	[smem:$0x3FD2] =	sst s23  }
0xa3: {  	s2 =	sshll.u32 s24, $0x1;
	_ =	strace $0x80000046;
	[dreg:$0x1] =	wrdreg $0xFFFFFFFF  }
0xa4: {  	s25 =	simm.s32 $_size_execute0_lowered;
	s0 =	sadd.s32 s0, s2;
	[dreg:$0x0] =	wrdreg $0x0  }
0xa5: {  	s2 =	sshll.u32 s25, $0x1;
	[dreg:$0x2] =	wrdreg s0  }
0xa6: {  	[dreg:$0x3] =	wrdreg s2  }
0xa7: {  	[dreg:$0x4] =	wrdreg $0xC0  }
0xa8: {  	_ =	task [dreg:s4], $0x5FFFF  }
0xa9: {  	[dreg:$0x1] =	wrdreg $0xFFFFFFFF  }
0xaa: {  	[dreg:$0x0] =	wrdreg $0x60  }
0xab: {  	[dreg:$0x2] =	wrdreg s22  }
0xac: {  	[dreg:$0x3] =	wrdreg $0x9  }
0xad: {  	_ =	task.clear_ibuf [dreg:s4], $0x4FFFF;
	_ =	strace $0x90000046  }
0xae: {  	s26 =	simm.s32 $0x9;
	_ =	strace $0x80000048  }
0xaf: {  	_ =	swait.ge [sflag:s26], $0x1  }
0xb0: {  	[sflag:s26] =	ssyncadd.s32 $0xFFFFFFFF  }
0xb1: {  	_ =	strace $0x90000048  }
0xb2: {  	_ =	sfence  }
0xb3: {  	s28 =	sld [smem:$0x0];
	_ =	sdelay $0x1  }
0xb4: {  	s29 =	srdreg.scid  }
0xb5: {  	s30 =	sshll.u32 s29, $0xD;
	s31 =	sshrl.u32 s29, $0x2  }
0xb6: {  	s1 =	sand.u32 $0x1, s29;
	s2 =	sand.u32 $0x4000, s30;
	s0 =	sadd.s32 s31, s28  }
0xb7: {  	s1 =	sor.u32 s2, s1;
	s0 =	sshll.u32 s0, $0x11  }
0xb8: {  	s0 =	sor.u32 s0, s1  }
0xb9: {  	s0 =	sadd.s32 $0x8F2B, s0  }
0xba: {  	[sflag:s0] =	ssyncadd.remote.s32 $0x1  }
0xbb: {  	_ =	sfence.sel $0xFFFF  }
0xbc: {  	[dreg:$0x0] =	wrdreg $0xFFFFFFFF;
	(pc) =	sbr.abs _section_cstart, $3  }
0xbd: {  	[dreg:$0x1] =	wrdreg $0xFFFFFFFF  }
0xbe: {  	_ =	task.clear_ibuf [dreg:s4], $0x2FFFF;
	_ =	strace $0x9FFFFFFF  }
0xbf: {  	(tm) =	ssettm $0x7FFFFFFF  }
tec
execute0_lowered:
.L_overlay_start_1:
0x0: {  	(tag) =	ssettag $0x1  }
0x1: {  	s0 =	stileid.u32  }
0x2: {  	s1 =	smin.u32 s0, $0x9  }
0x3: {  	s1 =	sadd.s32 s0, s1  }
0x4: {  	p0 =	slt.u32 s0, $0x9;
	s2 =	smul.u32 $0x50, s1;
	s1 =	simm.s32 $0xA0  }
0x5: {  	s1 =	simm.s32 @!p0 $0x50  }
0x6: {  	s1 =	sadd.s32 s1, s2  }
0x7: {  	s3 =	smin.u32 s1, $0x7D0  }
0x8: {  	s7 =	ssub.s32 s3, s2  }
0x9: {  	p0 =	sgt.s32 s7, $0x0  }
0xa: {  	s7 =	simm.s32 @!p0 $0x0  }
0xb: {  	s31 =	smul.u32 $0xCCCD, s7  }
0xc: {  	s4 =	rddreg [dreg:$0x0];
	s6 =	simm.s32 $0x1  }
0xd: {  	s10 =	simm.s32 $0x3;
	s13 =	simm.s32 $0x0;
	s8 =	sshrl.u32 s31, $0x16  }
0xe: {  	s12 =	simm.s32 $0x0;
	s5 =	sadd.s32 $0x200, s4;
	s9 =	smul.u32 $0x50, s8  }
.Ltmp0:
0xf: {  	s11 =	smov.u32 s2;
	s1 =	rddreg [dreg:$0x1];
	(pc) =	sbr.rel .LBB2_1-.Ltmp0, $4  }
0x10: {  	_ =	strace $0x80000047;
	p0 =	sne.s32 s7, s9;
	s9 =	simm.s32 $0x1  }
0x11: {  	[sflag:s6] =	ssyncpa.u1 $0x0;
	s7 =	simm.s32 $0x2;
	s9 =	simm.s32 @!p0 $0x0  }
0x12: {  	[sflag:s7] =	ssyncpa.u1 $0x0;
	p0 =	por $0x0, $0x0;
	s8 =	sadd.s32 s8, s9  }
0x13: {  	vm0 =	vmmov $0xff;
	vm1 =	vcmask $0x3F20;
	s9 =	sadd.s32 $0x40200, s4;
	[sflag:s10] =	ssyncpa.u1 $0x0;
	s10 =	sadd.s32 $0x1, s8  }
.LBB2_6:
0x14: {  	[hbm:s17] =	stream.linear.scatter [tilespmem:s14], [sflag:$0x3], $0x400, $0x38;
	[tilespmem:$0x50A0] =	vst v63  }
.LBB2_7:
0x15: {  	s13 =	sadd.s32 $0x50, s11  }
0x16: {  	s15 =	smov.u32 s2;
	p2 =	slt.s32 s13, s3  }
0x17: {  	s15 =	smov.u32 @p2 s13;
	p2 =	sne.s32 s12, s10  }
.Ltmp1:
0x18: {  	p1 =	slt.u32 s12, $0x2;
	(pc) =	sbr.rel @!p2 .LBB2_8-.Ltmp1, $4  }
0x19: {  	s14 =	simm.s32 @!p1 $0x3  }
0x1a: {  	s16 =	sadd.s32 $0x1, s12;
	_ =	swait.ge @!p1 [sflag:s14], $0x2800  }
0x1b: {  	p0 =	por !p0, !p0;
	s13 =	smov.u32 s11;
	[sflag:s14] =	ssyncset.done @!p1 $0x0  }
0x1c: {  	s12 =	smov.u32 s16;
	s11 =	smov.u32 s15;
	[sflag:s14] =	ssyncadd.s32 @!p1 $0xFFFFD800  }
.LBB2_1:
0x1d: {  	p1 =	sge.u32 s12, s8  }
0x1e: {  	s14 =	sxor.u32 @!p1 $0xFFFFFFFF, s12  }
0x1f: {  	s14 =	sand.u32 @!p1 $0x1, s14  }
0x20: {  	s14 =	smul.u32 @!p1 $0x140, s14  }
0x21: {  	s31 =	sadd.s32 $0xFFFFFFFF, s12;
	s15 =	sshrl.u32 @!p1 s11, $0x3  }
0x22: {  	s16 =	sand.u32 @!p1 $0x7, s11;
	s15 =	sadd.s32 @!p1 s4, s15;
	s14 =	sshrl.u32 @!p1 s14, $0x2  }
0x23: {  	[tilespmem:s14], [sflag:$0x2] =	stream.linear.gather @!p1 [hbm4b:s15+s16], $0x50, $0x38;
	[tilespmem:$0x50A0] =	vst v63  }
0x24: {  	p1 =	sge.u32 s31, s8  }
.Ltmp2:
0x25: {  	_ = 	snop;
	(pc) =	sbr.rel @p1 .LBB2_7-.Ltmp2, $1  }
0x26: {  	_ =	sdelay $0x3  }
0x27: {  	s14 =	simm.s32 $0x1  }
0x28: {  	s14 =	simm.s32 @!p0 $0x0  }
0x29: {  	s15 =	smul.u32 $0x140, s14  }
0x2a: {  	_ =	swait.ge [sflag:s7], $0x50  }
0x2b: {  	[sflag:s7] =	ssyncset.done $0x0;
	s16 =	sshrl.u32 s15, $0x2  }
0x2c: {  	[sflag:s7] =	ssyncadd.s32 $0xFFFFFFB0;
	s15 =	sadd.s32 $0x0, s16  }
0x2d: {  	v0 =	vld.msk [tilespmem:s15+$0x0 ss:$0x1], $0xffff;
	_ =	sdelay $0x4  }
0x2e: {  	vm2 =	vgt.s32 v0, $0x0  }
0x2f: {  	v0 =	vnsel vm2, $0x0, v0  }
0x30: {  	v0 =	vmin.u32 v0, $0x3FFF  }
0x31: {  	v0 =	vshll.u32 v0, $0x4  }
0x32: {  	s14 =	smul.u32 $0xA000, s14;
	_ =	sdelay $0x1  }
0x33: {  	s14 =	sshrl.u32 s14, $0x2  }
0x34: {  	s14 =	sor.u32 $0xA0, s14  }
0x35: {  	[tilespmem:s14], [sflag:$0x1] =	stream.indirect_vreg.gather [hbm:s5], $0x80, v0, vm0, $0x38;
	[tilespmem:$0x50A0] =	vst v63  }
0x36: {  	s17 =	sadd.s32 $0x10, s16;
	s15 =	sadd.s32 $0x400, s14  }
0x37: {  	[tilespmem:s15], [sflag:$0x1] =	stream.indirect_vreg.gather [hbm:s5], $0x80, v0, vm1, $0x38;
	[tilespmem:$0x50A0] =	vst v63  }
0x38: {  	s18 =	simm.s32 $0x80;
	v0 =	vld.msk [tilespmem:s17+$0x0 ss:$0x1], $0xffff;
	s17 =	smov.u32 s14  }
.LBB2_3:
0x39: {  	p1 =	sne.s32 s18, $0x100;
	_ =	sdelay $0x4  }
0x3a: {  	vm2 =	vgt.s32 v0, $0x0  }
0x3b: {  	v0 =	vnsel vm2, $0x0, v0  }
0x3c: {  	v0 =	vmin.u32 v0, $0x3FFF  }
0x3d: {  	v0 =	vshll.u32 v0, $0x4;
	_ =	sdelay $0x3  }
.Ltmp3:
0x3e: {  	s19 =	sshra.s32 s18, $0x2;
	s17 =	sadd.s32 $0x800, s17;
	(pc) =	sbr.rel @p1 .LBB2_3-.Ltmp3, $4  }
0x3f: {  	[tilespmem:s17], [sflag:$0x1] =	stream.indirect_vreg.gather [hbm:s5], $0x80, v0, vm0, $0x38;
	[tilespmem:$0x50A0] =	vst v63  }
0x40: {  	s19 =	sadd.s32 s19, s16;
	s20 =	sadd.s32 $0x400, s17  }
0x41: {  	[tilespmem:s20], [sflag:$0x1] =	stream.indirect_vreg.gather [hbm:s5], $0x80, v0, vm1, $0x38;
	[tilespmem:$0x50A0] =	vst v63  }
0x42: {  	s18 =	sadd.s32 $0x40, s18;
	v0 =	vld.msk [tilespmem:s19+$0x0 ss:$0x1], $0xffff  }
0x43: {  	_ =	sdelay $0x3  }
0x44: {  	vm2 =	vgt.s32 v0, $0x0  }
0x45: {  	v0 =	vnsel vm2, $0x0, v0  }
0x46: {  	v0 =	vmin.u32 v0, $0x3FFF  }
0x47: {  	v0 =	vshll.u32 v0, $0x4;
	_ =	sdelay $0x3  }
0x48: {  	s16 =	sadd.s32 $0x800, s17  }
0x49: {  	[tilespmem:s16], [sflag:$0x1] =	stream.indirect_vreg.gather [hbm:s5], $0x80, v0, vm0, $0x38;
	[tilespmem:$0x50A0] =	vst v63  }
0x4a: {  	s16 =	sadd.s32 $0x400, s16  }
0x4b: {  	[tilespmem:s16], [sflag:$0x1] =	stream.indirect_vreg.gather [hbm:s5], $0x80, v0, vm1, $0x38;
	[tilespmem:$0x50A0] =	vst v63  }
0x4c: {  	s13 =	sshll.u32 s13, $0x4;
	_ =	swait.ge [sflag:s6], $0x2800  }
0x4d: {  	s13 =	sadd.s32 s13, s9;
	[sflag:s6] =	ssyncset.done $0x0  }
0x4e: {  	s17 =	sadd.s32 $0x0, s13;
	s16 =	simm.s32 $0x80;
	[sflag:s6] =	ssyncadd.s32 $0xFFFFD800  }
.LBB2_5:
0x4f: {  	[hbm:s17] =	stream.linear.scatter [tilespmem:s14], [sflag:$0x3], $0x400, $0x38;
	[tilespmem:$0x50A0] =	vst v63  }
0x50: {  	s17 =	smov.u32 s16;
	s14 =	smov.u32 s15;
	p1 =	sne.s32 s16, $0x480  }
.Ltmp4:
0x51: {  	s16 =	sadd.s32 $0x80, s16;
	(pc) =	sbr.rel @p1 .LBB2_5-.Ltmp4, $2  }
0x52: {  	_ =	sdelay $0x2  }
0x53: {  	s15 =	sadd.s32 $0x400, s15;
	s17 =	sadd.s32 s17, s13  }
.Ltmp5:
0x54: {  	_ = 	snop;
	(pc) =	sbr.rel .LBB2_6-.Ltmp5, $1  }
0x55: {  	_ =	sdelay $0x3  }
.LBB2_8:
0x56: {  	_ =	sfence.sel $0x180000  }
0x57: {  	s2 =	simm.s32 $0x2;
	[bflag:$0x0] =	sbarrier.arrive $0xFFFF  }
0x58: {  	s30 =	simm.s32 $0x3;
	[sflag:s2] =	ssyncpa.u1 $0x1  }
0x59: {  	s31 =	simm.s32 $0x1;
	[sflag:s30] =	ssyncpa.u1 $0x1  }
0x5a: {  	[sflag:s31] =	ssyncpa.u1 $0x1  }
0x5b: {  	p0 =	sne.s32 s0, $0x0;
	_ =	strace $0x90000047  }
0x5c: {  	s0 =	sadd.s32 @!p0 $0x100000, s1;
	[bflag:$0x2] =	sbarrier.arrive $0xFFFF  }
0x5d: {  	[sflag:s0] =	ssyncadd.tile.s32 @!p0 $0x1;
	_ =	shalt  }
.Lfunc_end2:
_tile_overlayer_lowered:
.L_overlay_start_2:
0x5e: {  	(tag) =	ssettag $0x2  }
0x5f: {  	s0 =	rddreg [dreg:$0x0];
	s2 =	stileid.u32  }
0x60: {  	s1 =	rddreg [dreg:$0x1];
	p0 =	sne.s32 s2, $0x0  }
0x61: {  	s3 =	rddreg [dreg:$0x2];
	[bflag:$0x3] =	sbarrier.arrive $0xFFFF;
	s2 =	simm.s32 @!p0 $0x1C01  }
0x62: {  	[timem:s3], [sflag:s2] =	dma.local @!p0 [hbm:s0], s1  }
0x63: {  	s0 =	simm.s32 @!p0 $0x1  }
0x64: {  	_ =	swait.ge @!p0 [sflag:s0], s1  }
0x65: {  	s1 =	ssub.s32 @!p0 $0x0, s1;
	[sflag:s0] =	ssyncset.done @!p0 $0x0  }
0x66: {  	[sflag:s0] =	ssyncadd.s32 @!p0 s1  }
0x67: {  	[bflag:$0x3] =	sbarrier.arrive $0xFFFF  }
0x68: {  	_ =	shalt  }

</sc_bundles>
